<compile_context>
chip_gen: v7x
topology: tpu7x:2x2x1
jax: 0.10.2.dev20260603
libtpu: 0.0.44.dev20260713+nightly
codegen_flags: <defaults>
</compile_context>

<pallas_src>
import functools
import jax
import jax.numpy as jnp
from jax import lax
from jax.experimental import pallas as pl
from jax.experimental.pallas import tpu as pltpu
from jax.experimental.pallas import tpu_sc as plsc

_D = 2048
_LANES = 16



def _tc_body(idx_ref, x_ref, row_ref, o_ref):
    o_ref[...] = x_ref[...] + row_ref[0]


def _tc_add(idx, xf, emb, n_rows, blk):
    grid_spec = pltpu.PrefetchScalarGridSpec(
        num_scalar_prefetch=1,
        grid=(n_rows // blk,),
        in_specs=[
            pl.BlockSpec((blk, _D), lambda i, idx_ref: (i, 0)),
            pl.BlockSpec((1, 1, _D), lambda i, idx_ref: (idx_ref[0], 0, 0)),
        ],
        out_specs=pl.BlockSpec((blk, _D), lambda i, idx_ref: (i, 0)),
    )
    return pl.pallas_call(
        _tc_body,
        grid_spec=grid_spec,
        out_shape=jax.ShapeDtypeStruct((n_rows, _D), xf.dtype),
    )(idx, xf, emb.reshape(emb.shape[0], 1, _D))



_NC = 2
_NS = 16
_NW = _NC * _NS


def _sc_make(n_sc_rows, row_base, chunk_rows):
    rows_per_w = n_sc_rows // _NW
    n_chunks = rows_per_w // chunk_rows
    mesh = plsc.VectorSubcoreMesh(core_axis_name="c", subcore_axis_name="s")

    @functools.partial(
        pl.kernel,
        mesh=mesh,
        out_type=jax.ShapeDtypeStruct((n_sc_rows, _D), jnp.float32),
        scratch_types=[
            pltpu.VMEM((8,), jnp.int32),
            pltpu.VMEM((1, _D), jnp.float32),
            pltpu.VMEM((chunk_rows, _D), jnp.float32),
            pltpu.SemaphoreType.DMA,
        ],
    )
    def sc_add(idx_hbm, x_hbm, emb_hbm, out_hbm, idx_v, row_v, buf_v, dsem):
        wid = lax.axis_index("s") * _NC + lax.axis_index("c")
        base = wid * rows_per_w
        pltpu.sync_copy(idx_hbm, idx_v)
        pltpu.async_copy(emb_hbm.at[idx_v.at[pl.ds(0, 1)]], row_v, dsem).wait()

        def step(i, carry):
            r0 = base + i * chunk_rows
            pltpu.sync_copy(x_hbm.at[pl.ds(row_base + r0, chunk_rows)], buf_v)

            def dloop(d, c2):
                col = pl.multiple_of(d * _LANES, _LANES)
                rv = row_v[0, pl.ds(col, _LANES)]
                for r in range(chunk_rows):
                    buf_v[r, pl.ds(col, _LANES)] += rv
                return c2

            lax.fori_loop(0, _D // _LANES, dloop, 0)
            pltpu.sync_copy(buf_v, out_hbm.at[pl.ds(r0, chunk_rows)])
            return carry

        lax.fori_loop(0, n_chunks, step, 0)

    return sc_add


_N_SC = 4096


def kernel(rep_idx, x, emb):
    B, S, D = x.shape
    N = B * S
    xf = x.reshape(N, D)
    idx = jnp.full((8,), rep_idx, jnp.int32)
    n_tc = N - _N_SC
    out_tc = _tc_add(idx[:1], xf, emb, n_tc, 1024)
    out_sc = _sc_make(_N_SC, n_tc, 16)(idx, xf, emb)
    out = jnp.concatenate([out_tc, out_sc], axis=0)
    return out.reshape(B, S, D)

# --- scband reference (transcript-rebuilt; emitter-appended) ---
"""Pipeline reference for scband-repeat-embedding-15779709845530 (READ-ONLY COPY).

The authoritative reference and input builder live on the scoring server;
editing this copy changes nothing except your own understanding.
"""

import jax, jax.numpy as jnp
import numpy as np


def setup_inputs(seed: int = 0) -> dict:
    key = jax.random.key(seed)
    k1, k2 = jax.random.split(key)
    x = jax.random.normal(k1, (4, 4096, 2048), dtype=jnp.float32)
    # learned parameter: nn.Embedding(n_repeats=12, d_model=2048).weight
    emb = jax.random.normal(k2, (12, 2048), dtype=jnp.float32) * 0.02
    rep_idx = 3  # python int scalar, must be < n_repeats
    return {"rep_idx": rep_idx, "x": x, "emb": emb}


def reference(rep_idx, x, emb):
    # x + self.emb.weight[rep_idx]  (row-gather then broadcast add over [B, S, d_model])
    row = emb[rep_idx]
    return x + row

if __name__ == "__main__":
    import jax
    _d = setup_inputs()
    print(jax.jit(kernel)(*tuple(_d.values())))

</pallas_src>

<mosaic_0001>
#map = affine_map<(d0, d1) -> (0)>
#map1 = affine_map<(d0, d1) -> (0, 0)>
module attributes {stable_mosaic.version = 14 : i64} {
  func.func @sc_add(%arg0: i32, %arg1: i32, %arg2: memref<8xi32, #tpu.memory_space<hbm>>, %arg3: memref<16384x2048xf32, #tpu.memory_space<hbm>>, %arg4: memref<12x2048xf32, #tpu.memory_space<hbm>>, %arg5: memref<4096x2048xf32, #tpu.memory_space<hbm>>, %arg6: memref<8xi32, #tpu.memory_space<vmem>>, %arg7: memref<1x2048xf32, #tpu.memory_space<vmem>>, %arg8: memref<16x2048xf32, #tpu.memory_space<vmem>>, %arg9: memref<!tpu.dma_semaphore, #tpu.memory_space<semaphore_mem>>) attributes {dimension_semantics = [#tpu.dimension_semantics<core_parallel>, #tpu.dimension_semantics<subcore_parallel>], iteration_bounds = array<i64: 2, 16>, scalar_prefetch = 0 : i64, scratch_operands = 4 : i64, tpu.core_type = #tpu.core_type<sc_vector_subcore>, window_params = [{transform_indices = #map}, {transform_indices = #map1}, {transform_indices = #map1}, {transform_indices = #map1}]} {
    %mul3A = arith.constant 2 : i32
    %mul3A_0 = arith.muli %arg1, %mul3A : i32
    %add3A = arith.addi %mul3A_0, %arg0 : i32
    %mul3A_1 = arith.constant 128 : i32
    %mul3A_2 = arith.muli %add3A, %mul3A_1 : i32
    "tpu.region"() ({
      %run_scoped3A = tpu.sem_alloc : memref<!tpu.dma_semaphore, #tpu.memory_space<semaphore_mem>>
      tpu.enqueue_dma source(%arg2 : memref<8xi32, #tpu.memory_space<hbm>>) target(%arg6 : memref<8xi32, #tpu.memory_space<vmem>>) target_semaphore(%run_scoped3A : memref<!tpu.dma_semaphore, #tpu.memory_space<semaphore_mem>>)
      tpu.wait_dma2 semaphore(%run_scoped3A : memref<!tpu.dma_semaphore, #tpu.memory_space<semaphore_mem>>) src(%arg2 : memref<8xi32, #tpu.memory_space<hbm>>) dst(%arg6 : memref<8xi32, #tpu.memory_space<vmem>>)
      tpu.yield
    }) : () -> ()
    %dma_start3A = arith.constant 0 : i32
    %dma_start3A_3 = tpu.memref_slice %arg6[%dma_start3A] : memref<8xi32, #tpu.memory_space<vmem>> -> memref<1xi32, #tpu.memory_space<vmem>>
    %dma_start3A_4 = arith.constant 0 : i32
    %dma_start3A_5 = arith.constant 0 : i32
    %dma_start3A_6 = tpu.memref_slice %arg4[%dma_start3A_4, %dma_start3A_5] : memref<12x2048xf32, #tpu.memory_space<hbm>> -> memref<12x2048xf32, #tpu.memory_space<hbm>>
    tpu.enqueue_indirect_dma source(%dma_start3A_6 : memref<12x2048xf32, #tpu.memory_space<hbm>>) target(%arg7 : memref<1x2048xf32, #tpu.memory_space<vmem>>) offsets(%dma_start3A_3 : memref<1xi32, #tpu.memory_space<vmem>>) semaphore(%arg9 : memref<!tpu.dma_semaphore, #tpu.memory_space<semaphore_mem>>)
    %dma_wait3A = arith.constant 0 : i32
    %dma_wait3A_7 = tpu.memref_slice %arg6[%dma_wait3A] : memref<8xi32, #tpu.memory_space<vmem>> -> memref<1xi32, #tpu.memory_space<vmem>>
    %dma_wait3A_8 = arith.constant 0 : i32
    %dma_wait3A_9 = arith.constant 0 : i32
    %dma_wait3A_10 = tpu.memref_slice %arg4[%dma_wait3A_8, %dma_wait3A_9] : memref<12x2048xf32, #tpu.memory_space<hbm>> -> memref<12x2048xf32, #tpu.memory_space<hbm>>
    tpu.wait_indirect_dma semaphore(%arg9 : memref<!tpu.dma_semaphore, #tpu.memory_space<semaphore_mem>>) src(%dma_wait3A_10 : memref<12x2048xf32, #tpu.memory_space<hbm>>) dst(%arg7 : memref<1x2048xf32, #tpu.memory_space<vmem>>)
    %scan3A = arith.constant 0 : i32
    %scan3A_11 = arith.constant 0 : i32
    %scan3A_12 = arith.constant 8 : i32
    %scan3A_13 = arith.addi %scan3A_11, %scan3A_12 : i32
    %scan3A_14 = arith.constant 1 : i32
    scf.for %scan3A_16 = %scan3A_11 to %scan3A_13 step %scan3A_14  : i32 {
      %mul3A_17 = arith.constant 16 : i32
      %mul3A_18 = arith.muli %scan3A_16, %mul3A_17 : i32
      %add3A_19 = arith.addi %mul3A_2, %mul3A_18 : i32
      %add3A_20 = arith.constant 12288 : i32
      %add3A_21 = arith.addi %add3A_20, %add3A_19 : i32
      "tpu.region"() ({
        %run_scoped3A = tpu.sem_alloc : memref<!tpu.dma_semaphore, #tpu.memory_space<semaphore_mem>>
        %dma_start3A_28 = arith.constant 0 : i32
        %dma_start3A_29 = tpu.memref_slice %arg3[%add3A_21, %dma_start3A_28] : memref<16384x2048xf32, #tpu.memory_space<hbm>> -> memref<16x2048xf32, #tpu.memory_space<hbm>>
        %dma_start3A_30 = arith.constant 0 : i32
        %dma_start3A_31 = tpu.memref_slice %arg3[%add3A_21, %dma_start3A_30] : memref<16384x2048xf32, #tpu.memory_space<hbm>> -> memref<16x2048xf32, #tpu.memory_space<hbm>>
        tpu.enqueue_dma source(%dma_start3A_31 : memref<16x2048xf32, #tpu.memory_space<hbm>>) target(%arg8 : memref<16x2048xf32, #tpu.memory_space<vmem>>) target_semaphore(%run_scoped3A : memref<!tpu.dma_semaphore, #tpu.memory_space<semaphore_mem>>)
        %dma_wait3A_32 = arith.constant 0 : i32
        %dma_wait3A_33 = tpu.memref_slice %arg3[%add3A_21, %dma_wait3A_32] : memref<16384x2048xf32, #tpu.memory_space<hbm>> -> memref<16x2048xf32, #tpu.memory_space<hbm>>
        %dma_wait3A_34 = arith.constant 0 : i32
        %dma_wait3A_35 = tpu.memref_slice %arg3[%add3A_21, %dma_wait3A_34] : memref<16384x2048xf32, #tpu.memory_space<hbm>> -> memref<16x2048xf32, #tpu.memory_space<hbm>>
        tpu.wait_dma2 semaphore(%run_scoped3A : memref<!tpu.dma_semaphore, #tpu.memory_space<semaphore_mem>>) src(%dma_wait3A_35 : memref<16x2048xf32, #tpu.memory_space<hbm>>) dst(%arg8 : memref<16x2048xf32, #tpu.memory_space<vmem>>)
        tpu.yield
      }) : () -> ()
      %scan3A_22 = arith.constant 0 : i32
      %scan3A_23 = arith.constant 0 : i32
      %scan3A_24 = arith.constant 128 : i32
      %scan3A_25 = arith.addi %scan3A_23, %scan3A_24 : i32
      %scan3A_26 = arith.constant 1 : i32
      scf.for %scan3A_28 = %scan3A_23 to %scan3A_25 step %scan3A_26  : i32 {
        %mul3A_29 = arith.constant 16 : i32
        %mul3A_30 = arith.muli %scan3A_28, %mul3A_29 : i32
        %multiple_of3A = tpu.assume_multiple %mul3A_30, 16 : i32
        %get3A = arith.constant 0 : i32
        %get3A_31 = arith.index_cast %get3A : i32 to index
        %get3A_32 = arith.index_cast %multiple_of3A : i32 to index
        %get3A_33 = tpu.vector_load %arg7[%get3A_31, %get3A_32] {strides = array<i32>} : memref<1x2048xf32, #tpu.memory_space<vmem>>, vector<1x16xf32>,
        %get3A_34 = vector.shape_cast %get3A_33 : vector<1x16xf32> to vector<16xf32>
        %get3A_35 = arith.constant 0 : i32
        %get3A_36 = arith.index_cast %get3A_35 : i32 to index
        %get3A_37 = arith.index_cast %multiple_of3A : i32 to index
        %get3A_38 = tpu.vector_load %arg8[%get3A_36, %get3A_37] {strides = array<i32>} : memref<16x2048xf32, #tpu.memory_space<vmem>>, vector<1x16xf32>,
        %get3A_39 = vector.shape_cast %get3A_38 : vector<1x16xf32> to vector<16xf32>
        %add3A_40 = arith.addf %get3A_39, %get3A_34 : vector<16xf32>
        %swap3A = arith.constant 0 : i32
        %swap3A_41 = arith.index_cast %swap3A : i32 to index
        %swap3A_42 = arith.index_cast %multiple_of3A : i32 to index
        %swap3A_43 = tpu.vector_load %arg8[%swap3A_41, %swap3A_42] {strides = array<i32>} : memref<16x2048xf32, #tpu.memory_space<vmem>>, vector<1x16xf32>,
        %swap3A_44 = vector.shape_cast %swap3A_43 : vector<1x16xf32> to vector<16xf32>
        %swap3A_45 = vector.shape_cast %add3A_40 : vector<16xf32> to vector<1x16xf32>
        tpu.vector_store %arg8[%swap3A_41, %swap3A_42], %swap3A_45 {strides = array<i32>} : memref<16x2048xf32, #tpu.memory_space<vmem>>, vector<1x16xf32>,
        %get3A_46 = arith.constant 1 : i32
        %get3A_47 = arith.index_cast %get3A_46 : i32 to index
        %get3A_48 = arith.index_cast %multiple_of3A : i32 to index
        %get3A_49 = tpu.vector_load %arg8[%get3A_47, %get3A_48] {strides = array<i32>} : memref<16x2048xf32, #tpu.memory_space<vmem>>, vector<1x16xf32>,
        %get3A_50 = vector.shape_cast %get3A_49 : vector<1x16xf32> to vector<16xf32>
        %add3A_51 = arith.addf %get3A_50, %get3A_34 : vector<16xf32>
        %swap3A_52 = arith.constant 1 : i32
        %swap3A_53 = arith.index_cast %swap3A_52 : i32 to index
        %swap3A_54 = arith.index_cast %multiple_of3A : i32 to index
        %swap3A_55 = tpu.vector_load %arg8[%swap3A_53, %swap3A_54] {strides = array<i32>} : memref<16x2048xf32, #tpu.memory_space<vmem>>, vector<1x16xf32>,
        %swap3A_56 = vector.shape_cast %swap3A_55 : vector<1x16xf32> to vector<16xf32>
        %swap3A_57 = vector.shape_cast %add3A_51 : vector<16xf32> to vector<1x16xf32>
        tpu.vector_store %arg8[%swap3A_53, %swap3A_54], %swap3A_57 {strides = array<i32>} : memref<16x2048xf32, #tpu.memory_space<vmem>>, vector<1x16xf32>,
        %get3A_58 = arith.constant 2 : i32
        %get3A_59 = arith.index_cast %get3A_58 : i32 to index
        %get3A_60 = arith.index_cast %multiple_of3A : i32 to index
        %get3A_61 = tpu.vector_load %arg8[%get3A_59, %get3A_60] {strides = array<i32>} : memref<16x2048xf32, #tpu.memory_space<vmem>>, vector<1x16xf32>,
        %get3A_62 = vector.shape_cast %get3A_61 : vector<1x16xf32> to vector<16xf32>
        %add3A_63 = arith.addf %get3A_62, %get3A_34 : vector<16xf32>
        %swap3A_64 = arith.constant 2 : i32
        %swap3A_65 = arith.index_cast %swap3A_64 : i32 to index
        %swap3A_66 = arith.index_cast %multiple_of3A : i32 to index
        %swap3A_67 = tpu.vector_load %arg8[%swap3A_65, %swap3A_66] {strides = array<i32>} : memref<16x2048xf32, #tpu.memory_space<vmem>>, vector<1x16xf32>,
        %swap3A_68 = vector.shape_cast %swap3A_67 : vector<1x16xf32> to vector<16xf32>
        %swap3A_69 = vector.shape_cast %add3A_63 : vector<16xf32> to vector<1x16xf32>
        tpu.vector_store %arg8[%swap3A_65, %swap3A_66], %swap3A_69 {strides = array<i32>} : memref<16x2048xf32, #tpu.memory_space<vmem>>, vector<1x16xf32>,
        %get3A_70 = arith.constant 3 : i32
        %get3A_71 = arith.index_cast %get3A_70 : i32 to index
        %get3A_72 = arith.index_cast %multiple_of3A : i32 to index
        %get3A_73 = tpu.vector_load %arg8[%get3A_71, %get3A_72] {strides = array<i32>} : memref<16x2048xf32, #tpu.memory_space<vmem>>, vector<1x16xf32>,
        %get3A_74 = vector.shape_cast %get3A_73 : vector<1x16xf32> to vector<16xf32>
        %add3A_75 = arith.addf %get3A_74, %get3A_34 : vector<16xf32>
        %swap3A_76 = arith.constant 3 : i32
        %swap3A_77 = arith.index_cast %swap3A_76 : i32 to index
        %swap3A_78 = arith.index_cast %multiple_of3A : i32 to index
        %swap3A_79 = tpu.vector_load %arg8[%swap3A_77, %swap3A_78] {strides = array<i32>} : memref<16x2048xf32, #tpu.memory_space<vmem>>, vector<1x16xf32>,
        %swap3A_80 = vector.shape_cast %swap3A_79 : vector<1x16xf32> to vector<16xf32>
        %swap3A_81 = vector.shape_cast %add3A_75 : vector<16xf32> to vector<1x16xf32>
        tpu.vector_store %arg8[%swap3A_77, %swap3A_78], %swap3A_81 {strides = array<i32>} : memref<16x2048xf32, #tpu.memory_space<vmem>>, vector<1x16xf32>,
        %get3A_82 = arith.constant 4 : i32
        %get3A_83 = arith.index_cast %get3A_82 : i32 to index
        %get3A_84 = arith.index_cast %multiple_of3A : i32 to index
        %get3A_85 = tpu.vector_load %arg8[%get3A_83, %get3A_84] {strides = array<i32>} : memref<16x2048xf32, #tpu.memory_space<vmem>>, vector<1x16xf32>,
        %get3A_86 = vector.shape_cast %get3A_85 : vector<1x16xf32> to vector<16xf32>
        %add3A_87 = arith.addf %get3A_86, %get3A_34 : vector<16xf32>
        %swap3A_88 = arith.constant 4 : i32
        %swap3A_89 = arith.index_cast %swap3A_88 : i32 to index
        %swap3A_90 = arith.index_cast %multiple_of3A : i32 to index
        %swap3A_91 = tpu.vector_load %arg8[%swap3A_89, %swap3A_90] {strides = array<i32>} : memref<16x2048xf32, #tpu.memory_space<vmem>>, vector<1x16xf32>,
        %swap3A_92 = vector.shape_cast %swap3A_91 : vector<1x16xf32> to vector<16xf32>
        %swap3A_93 = vector.shape_cast %add3A_87 : vector<16xf32> to vector<1x16xf32>
        tpu.vector_store %arg8[%swap3A_89, %swap3A_90], %swap3A_93 {strides = array<i32>} : memref<16x2048xf32, #tpu.memory_space<vmem>>, vector<1x16xf32>,
        %get3A_94 = arith.constant 5 : i32
        %get3A_95 = arith.index_cast %get3A_94 : i32 to index
        %get3A_96 = arith.index_cast %multiple_of3A : i32 to index
        %get3A_97 = tpu.vector_load %arg8[%get3A_95, %get3A_96] {strides = array<i32>} : memref<16x2048xf32, #tpu.memory_space<vmem>>, vector<1x16xf32>,
        %get3A_98 = vector.shape_cast %get3A_97 : vector<1x16xf32> to vector<16xf32>
        %add3A_99 = arith.addf %get3A_98, %get3A_34 : vector<16xf32>
        %swap3A_100 = arith.constant 5 : i32
        %swap3A_101 = arith.index_cast %swap3A_100 : i32 to index
        %swap3A_102 = arith.index_cast %multiple_of3A : i32 to index
        %swap3A_103 = tpu.vector_load %arg8[%swap3A_101, %swap3A_102] {strides = array<i32>} : memref<16x2048xf32, #tpu.memory_space<vmem>>, vector<1x16xf32>,
        %swap3A_104 = vector.shape_cast %swap3A_103 : vector<1x16xf32> to vector<16xf32>
        %swap3A_105 = vector.shape_cast %add3A_99 : vector<16xf32> to vector<1x16xf32>
        tpu.vector_store %arg8[%swap3A_101, %swap3A_102], %swap3A_105 {strides = array<i32>} : memref<16x2048xf32, #tpu.memory_space<vmem>>, vector<1x16xf32>,
        %get3A_106 = arith.constant 6 : i32
        %get3A_107 = arith.index_cast %get3A_106 : i32 to index
        %get3A_108 = arith.index_cast %multiple_of3A : i32 to index
        %get3A_109 = tpu.vector_load %arg8[%get3A_107, %get3A_108] {strides = array<i32>} : memref<16x2048xf32, #tpu.memory_space<vmem>>, vector<1x16xf32>,
        %get3A_110 = vector.shape_cast %get3A_109 : vector<1x16xf32> to vector<16xf32>
        %add3A_111 = arith.addf %get3A_110, %get3A_34 : vector<16xf32>
        %swap3A_112 = arith.constant 6 : i32
        %swap3A_113 = arith.index_cast %swap3A_112 : i32 to index
        %swap3A_114 = arith.index_cast %multiple_of3A : i32 to index
        %swap3A_115 = tpu.vector_load %arg8[%swap3A_113, %swap3A_114] {strides = array<i32>} : memref<16x2048xf32, #tpu.memory_space<vmem>>, vector<1x16xf32>,
        %swap3A_116 = vector.shape_cast %swap3A_115 : vector<1x16xf32> to vector<16xf32>
        %swap3A_117 = vector.shape_cast %add3A_111 : vector<16xf32> to vector<1x16xf32>
        tpu.vector_store %arg8[%swap3A_113, %swap3A_114], %swap3A_117 {strides = array<i32>} : memref<16x2048xf32, #tpu.memory_space<vmem>>, vector<1x16xf32>,
        %get3A_118 = arith.constant 7 : i32
        %get3A_119 = arith.index_cast %get3A_118 : i32 to index
        %get3A_120 = arith.index_cast %multiple_of3A : i32 to index
        %get3A_121 = tpu.vector_load %arg8[%get3A_119, %get3A_120] {strides = array<i32>} : memref<16x2048xf32, #tpu.memory_space<vmem>>, vector<1x16xf32>,
        %get3A_122 = vector.shape_cast %get3A_121 : vector<1x16xf32> to vector<16xf32>
        %add3A_123 = arith.addf %get3A_122, %get3A_34 : vector<16xf32>
        %swap3A_124 = arith.constant 7 : i32
        %swap3A_125 = arith.index_cast %swap3A_124 : i32 to index
        %swap3A_126 = arith.index_cast %multiple_of3A : i32 to index
        %swap3A_127 = tpu.vector_load %arg8[%swap3A_125, %swap3A_126] {strides = array<i32>} : memref<16x2048xf32, #tpu.memory_space<vmem>>, vector<1x16xf32>,
        %swap3A_128 = vector.shape_cast %swap3A_127 : vector<1x16xf32> to vector<16xf32>
        %swap3A_129 = vector.shape_cast %add3A_123 : vector<16xf32> to vector<1x16xf32>
        tpu.vector_store %arg8[%swap3A_125, %swap3A_126], %swap3A_129 {strides = array<i32>} : memref<16x2048xf32, #tpu.memory_space<vmem>>, vector<1x16xf32>,
        %get3A_130 = arith.constant 8 : i32
        %get3A_131 = arith.index_cast %get3A_130 : i32 to index
        %get3A_132 = arith.index_cast %multiple_of3A : i32 to index
        %get3A_133 = tpu.vector_load %arg8[%get3A_131, %get3A_132] {strides = array<i32>} : memref<16x2048xf32, #tpu.memory_space<vmem>>, vector<1x16xf32>,
        %get3A_134 = vector.shape_cast %get3A_133 : vector<1x16xf32> to vector<16xf32>
        %add3A_135 = arith.addf %get3A_134, %get3A_34 : vector<16xf32>
        %swap3A_136 = arith.constant 8 : i32
        %swap3A_137 = arith.index_cast %swap3A_136 : i32 to index
        %swap3A_138 = arith.index_cast %multiple_of3A : i32 to index
        %swap3A_139 = tpu.vector_load %arg8[%swap3A_137, %swap3A_138] {strides = array<i32>} : memref<16x2048xf32, #tpu.memory_space<vmem>>, vector<1x16xf32>,
        %swap3A_140 = vector.shape_cast %swap3A_139 : vector<1x16xf32> to vector<16xf32>
        %swap3A_141 = vector.shape_cast %add3A_135 : vector<16xf32> to vector<1x16xf32>
        tpu.vector_store %arg8[%swap3A_137, %swap3A_138], %swap3A_141 {strides = array<i32>} : memref<16x2048xf32, #tpu.memory_space<vmem>>, vector<1x16xf32>,
        %get3A_142 = arith.constant 9 : i32
        %get3A_143 = arith.index_cast %get3A_142 : i32 to index
        %get3A_144 = arith.index_cast %multiple_of3A : i32 to index
        %get3A_145 = tpu.vector_load %arg8[%get3A_143, %get3A_144] {strides = array<i32>} : memref<16x2048xf32, #tpu.memory_space<vmem>>, vector<1x16xf32>,
        %get3A_146 = vector.shape_cast %get3A_145 : vector<1x16xf32> to vector<16xf32>
        %add3A_147 = arith.addf %get3A_146, %get3A_34 : vector<16xf32>
        %swap3A_148 = arith.constant 9 : i32
        %swap3A_149 = arith.index_cast %swap3A_148 : i32 to index
        %swap3A_150 = arith.index_cast %multiple_of3A : i32 to index
        %swap3A_151 = tpu.vector_load %arg8[%swap3A_149, %swap3A_150] {strides = array<i32>} : memref<16x2048xf32, #tpu.memory_space<vmem>>, vector<1x16xf32>,
        %swap3A_152 = vector.shape_cast %swap3A_151 : vector<1x16xf32> to vector<16xf32>
        %swap3A_153 = vector.shape_cast %add3A_147 : vector<16xf32> to vector<1x16xf32>
        tpu.vector_store %arg8[%swap3A_149, %swap3A_150], %swap3A_153 {strides = array<i32>} : memref<16x2048xf32, #tpu.memory_space<vmem>>, vector<1x16xf32>,
        %get3A_154 = arith.constant 10 : i32
        %get3A_155 = arith.index_cast %get3A_154 : i32 to index
        %get3A_156 = arith.index_cast %multiple_of3A : i32 to index
        %get3A_157 = tpu.vector_load %arg8[%get3A_155, %get3A_156] {strides = array<i32>} : memref<16x2048xf32, #tpu.memory_space<vmem>>, vector<1x16xf32>,
        %get3A_158 = vector.shape_cast %get3A_157 : vector<1x16xf32> to vector<16xf32>
        %add3A_159 = arith.addf %get3A_158, %get3A_34 : vector<16xf32>
        %swap3A_160 = arith.constant 10 : i32
        %swap3A_161 = arith.index_cast %swap3A_160 : i32 to index
        %swap3A_162 = arith.index_cast %multiple_of3A : i32 to index
        %swap3A_163 = tpu.vector_load %arg8[%swap3A_161, %swap3A_162] {strides = array<i32>} : memref<16x2048xf32, #tpu.memory_space<vmem>>, vector<1x16xf32>,
        %swap3A_164 = vector.shape_cast %swap3A_163 : vector<1x16xf32> to vector<16xf32>
        %swap3A_165 = vector.shape_cast %add3A_159 : vector<16xf32> to vector<1x16xf32>
        tpu.vector_store %arg8[%swap3A_161, %swap3A_162], %swap3A_165 {strides = array<i32>} : memref<16x2048xf32, #tpu.memory_space<vmem>>, vector<1x16xf32>,
        %get3A_166 = arith.constant 11 : i32
        %get3A_167 = arith.index_cast %get3A_166 : i32 to index
        %get3A_168 = arith.index_cast %multiple_of3A : i32 to index
        %get3A_169 = tpu.vector_load %arg8[%get3A_167, %get3A_168] {strides = array<i32>} : memref<16x2048xf32, #tpu.memory_space<vmem>>, vector<1x16xf32>,
        %get3A_170 = vector.shape_cast %get3A_169 : vector<1x16xf32> to vector<16xf32>
        %add3A_171 = arith.addf %get3A_170, %get3A_34 : vector<16xf32>
        %swap3A_172 = arith.constant 11 : i32
        %swap3A_173 = arith.index_cast %swap3A_172 : i32 to index
        %swap3A_174 = arith.index_cast %multiple_of3A : i32 to index
        %swap3A_175 = tpu.vector_load %arg8[%swap3A_173, %swap3A_174] {strides = array<i32>} : memref<16x2048xf32, #tpu.memory_space<vmem>>, vector<1x16xf32>,
        %swap3A_176 = vector.shape_cast %swap3A_175 : vector<1x16xf32> to vector<16xf32>
        %swap3A_177 = vector.shape_cast %add3A_171 : vector<16xf32> to vector<1x16xf32>
        tpu.vector_store %arg8[%swap3A_173, %swap3A_174], %swap3A_177 {strides = array<i32>} : memref<16x2048xf32, #tpu.memory_space<vmem>>, vector<1x16xf32>,
        %get3A_178 = arith.constant 12 : i32
        %get3A_179 = arith.index_cast %get3A_178 : i32 to index
        %get3A_180 = arith.index_cast %multiple_of3A : i32 to index
        %get3A_181 = tpu.vector_load %arg8[%get3A_179, %get3A_180] {strides = array<i32>} : memref<16x2048xf32, #tpu.memory_space<vmem>>, vector<1x16xf32>,
        %get3A_182 = vector.shape_cast %get3A_181 : vector<1x16xf32> to vector<16xf32>
        %add3A_183 = arith.addf %get3A_182, %get3A_34 : vector<16xf32>
        %swap3A_184 = arith.constant 12 : i32
        %swap3A_185 = arith.index_cast %swap3A_184 : i32 to index
        %swap3A_186 = arith.index_cast %multiple_of3A : i32 to index
        %swap3A_187 = tpu.vector_load %arg8[%swap3A_185, %swap3A_186] {strides = array<i32>} : memref<16x2048xf32, #tpu.memory_space<vmem>>, vector<1x16xf32>,
        %swap3A_188 = vector.shape_cast %swap3A_187 : vector<1x16xf32> to vector<16xf32>
        %swap3A_189 = vector.shape_cast %add3A_183 : vector<16xf32> to vector<1x16xf32>
        tpu.vector_store %arg8[%swap3A_185, %swap3A_186], %swap3A_189 {strides = array<i32>} : memref<16x2048xf32, #tpu.memory_space<vmem>>, vector<1x16xf32>,
        %get3A_190 = arith.constant 13 : i32
        %get3A_191 = arith.index_cast %get3A_190 : i32 to index
        %get3A_192 = arith.index_cast %multiple_of3A : i32 to index
        %get3A_193 = tpu.vector_load %arg8[%get3A_191, %get3A_192] {strides = array<i32>} : memref<16x2048xf32, #tpu.memory_space<vmem>>, vector<1x16xf32>,
        %get3A_194 = vector.shape_cast %get3A_193 : vector<1x16xf32> to vector<16xf32>
        %add3A_195 = arith.addf %get3A_194, %get3A_34 : vector<16xf32>
        %swap3A_196 = arith.constant 13 : i32
        %swap3A_197 = arith.index_cast %swap3A_196 : i32 to index
        %swap3A_198 = arith.index_cast %multiple_of3A : i32 to index
        %swap3A_199 = tpu.vector_load %arg8[%swap3A_197, %swap3A_198] {strides = array<i32>} : memref<16x2048xf32, #tpu.memory_space<vmem>>, vector<1x16xf32>,
        %swap3A_200 = vector.shape_cast %swap3A_199 : vector<1x16xf32> to vector<16xf32>
        %swap3A_201 = vector.shape_cast %add3A_195 : vector<16xf32> to vector<1x16xf32>
        tpu.vector_store %arg8[%swap3A_197, %swap3A_198], %swap3A_201 {strides = array<i32>} : memref<16x2048xf32, #tpu.memory_space<vmem>>, vector<1x16xf32>,
        %get3A_202 = arith.constant 14 : i32
        %get3A_203 = arith.index_cast %get3A_202 : i32 to index
        %get3A_204 = arith.index_cast %multiple_of3A : i32 to index
        %get3A_205 = tpu.vector_load %arg8[%get3A_203, %get3A_204] {strides = array<i32>} : memref<16x2048xf32, #tpu.memory_space<vmem>>, vector<1x16xf32>,
        %get3A_206 = vector.shape_cast %get3A_205 : vector<1x16xf32> to vector<16xf32>
        %add3A_207 = arith.addf %get3A_206, %get3A_34 : vector<16xf32>
        %swap3A_208 = arith.constant 14 : i32
        %swap3A_209 = arith.index_cast %swap3A_208 : i32 to index
        %swap3A_210 = arith.index_cast %multiple_of3A : i32 to index
        %swap3A_211 = tpu.vector_load %arg8[%swap3A_209, %swap3A_210] {strides = array<i32>} : memref<16x2048xf32, #tpu.memory_space<vmem>>, vector<1x16xf32>,
        %swap3A_212 = vector.shape_cast %swap3A_211 : vector<1x16xf32> to vector<16xf32>
        %swap3A_213 = vector.shape_cast %add3A_207 : vector<16xf32> to vector<1x16xf32>
        tpu.vector_store %arg8[%swap3A_209, %swap3A_210], %swap3A_213 {strides = array<i32>} : memref<16x2048xf32, #tpu.memory_space<vmem>>, vector<1x16xf32>,
        %get3A_214 = arith.constant 15 : i32
        %get3A_215 = arith.index_cast %get3A_214 : i32 to index
        %get3A_216 = arith.index_cast %multiple_of3A : i32 to index
        %get3A_217 = tpu.vector_load %arg8[%get3A_215, %get3A_216] {strides = array<i32>} : memref<16x2048xf32, #tpu.memory_space<vmem>>, vector<1x16xf32>,
        %get3A_218 = vector.shape_cast %get3A_217 : vector<1x16xf32> to vector<16xf32>
        %add3A_219 = arith.addf %get3A_218, %get3A_34 : vector<16xf32>
        %swap3A_220 = arith.constant 15 : i32
        %swap3A_221 = arith.index_cast %swap3A_220 : i32 to index
        %swap3A_222 = arith.index_cast %multiple_of3A : i32 to index
        %swap3A_223 = tpu.vector_load %arg8[%swap3A_221, %swap3A_222] {strides = array<i32>} : memref<16x2048xf32, #tpu.memory_space<vmem>>, vector<1x16xf32>,
        %swap3A_224 = vector.shape_cast %swap3A_223 : vector<1x16xf32> to vector<16xf32>
        %swap3A_225 = vector.shape_cast %add3A_219 : vector<16xf32> to vector<1x16xf32>
        tpu.vector_store %arg8[%swap3A_221, %swap3A_222], %swap3A_225 {strides = array<i32>} : memref<16x2048xf32, #tpu.memory_space<vmem>>, vector<1x16xf32>,
      }
      %scan3A_27 = arith.constant 128 : i32
      "tpu.region"() ({
        %run_scoped3A = tpu.sem_alloc : memref<!tpu.dma_semaphore, #tpu.memory_space<semaphore_mem>>
        %dma_start3A_28 = arith.constant 0 : i32
        %dma_start3A_29 = tpu.memref_slice %arg5[%add3A_19, %dma_start3A_28] : memref<4096x2048xf32, #tpu.memory_space<hbm>> -> memref<16x2048xf32, #tpu.memory_space<hbm>>
        %dma_start3A_30 = arith.constant 0 : i32
        %dma_start3A_31 = tpu.memref_slice %arg5[%add3A_19, %dma_start3A_30] : memref<4096x2048xf32, #tpu.memory_space<hbm>> -> memref<16x2048xf32, #tpu.memory_space<hbm>>
        tpu.enqueue_dma source(%arg8 : memref<16x2048xf32, #tpu.memory_space<vmem>>) target(%dma_start3A_31 : memref<16x2048xf32, #tpu.memory_space<hbm>>) target_semaphore(%run_scoped3A : memref<!tpu.dma_semaphore, #tpu.memory_space<semaphore_mem>>)
        %dma_wait3A_32 = arith.constant 0 : i32
        %dma_wait3A_33 = tpu.memref_slice %arg5[%add3A_19, %dma_wait3A_32] : memref<4096x2048xf32, #tpu.memory_space<hbm>> -> memref<16x2048xf32, #tpu.memory_space<hbm>>
        %dma_wait3A_34 = arith.constant 0 : i32
        %dma_wait3A_35 = tpu.memref_slice %arg5[%add3A_19, %dma_wait3A_34] : memref<4096x2048xf32, #tpu.memory_space<hbm>> -> memref<16x2048xf32, #tpu.memory_space<hbm>>
        tpu.wait_dma2 semaphore(%run_scoped3A : memref<!tpu.dma_semaphore, #tpu.memory_space<semaphore_mem>>) src(%arg8 : memref<16x2048xf32, #tpu.memory_space<vmem>>) dst(%dma_wait3A_35 : memref<16x2048xf32, #tpu.memory_space<hbm>>)
        tpu.yield
      }) : () -> ()
    }
    %scan3A_15 = arith.constant 8 : i32
    return
  }
}

module attributes {stable_mosaic.version = 14 : i64} {
  func.func @_tc_body(%arg0: i32, %arg1: memref<1xi32, #tpu.memory_space<smem>>, %arg2: memref<1024x2048xf32, #tpu.memory_space<vmem>>, %arg3: memref<1x1x2048xf32, #tpu.memory_space<vmem>>, %arg4: memref<1024x2048xf32, #tpu.memory_space<vmem>>) attributes {dimension_semantics = [#tpu.dimension_semantics<arbitrary>], iteration_bounds = array<i64: 12>, scalar_prefetch = 1 : i64, scratch_operands = 0 : i64, tpu.core_type = #tpu.core_type<tc>, window_params = [{transform_indices = @transform_0, window_bounds = array<i64: 1024, 2048>}, {transform_indices = @transform_1, window_bounds = array<i64: 1, 1, 2048>}, {transform_indices = @transform_2, window_bounds = array<i64: 1024, 2048>}]} {
    %get3A = arith.constant 0 : index
    %get3A_0 = arith.constant 0 : index
    %get3A_1 = vector.load %arg2[%get3A, %get3A_0] : memref<1024x2048xf32, #tpu.memory_space<vmem>>, vector<1024x2048xf32>
    %get3A_2 = arith.constant 0 : index
    %get3A_3 = arith.constant 0 : index
    %get3A_4 = arith.constant 0 : index
    %get3A_5 = vector.load %arg3[%get3A_2, %get3A_3, %get3A_4] : memref<1x1x2048xf32, #tpu.memory_space<vmem>>, vector<1x1x2048xf32>
    %get3A_6 = vector.shape_cast %get3A_5 : vector<1x1x2048xf32> to vector<1x2048xf32>
    %add3A = vector.broadcast %get3A_6 : vector<1x2048xf32> to vector<1024x2048xf32>
    %add3A_7 = arith.addf %get3A_1, %add3A : vector<1024x2048xf32>
    %swap3A = arith.constant 0 : index
    %swap3A_8 = arith.constant 0 : index
    %swap3A_9 = vector.load %arg4[%swap3A, %swap3A_8] : memref<1024x2048xf32, #tpu.memory_space<vmem>>, vector<1024x2048xf32>
    tpu.vector_store %arg4[%swap3A, %swap3A_8], %add3A_7 {strides = array<i32>} : memref<1024x2048xf32, #tpu.memory_space<vmem>>, vector<1024x2048xf32>,
    return
  }
  func.func @transform_0(%arg0: i32, %arg1: memref<1xi32, #tpu.memory_space<smem>>) -> (i32, i32) {
    %c0_i32 = arith.constant 0 : i32
    %c0_i32_0 = arith.constant 0 : i32
    return %arg0, %c0_i32 : i32, i32
  }
  func.func @transform_1(%arg0: i32, %arg1: memref<1xi32, #tpu.memory_space<smem>>) -> (i32, i32, i32) {
    %get3A = arith.constant 0 : index
    %get3A_0 = memref.load %arg1[%get3A] : memref<1xi32, #tpu.memory_space<smem>>
    %c0_i32 = arith.constant 0 : i32
    %c0_i32_1 = arith.constant 0 : i32
    %c0_i32_2 = arith.constant 0 : i32
    return %get3A_0, %c0_i32, %c0_i32_1 : i32, i32, i32
  }
  func.func @transform_2(%arg0: i32, %arg1: memref<1xi32, #tpu.memory_space<smem>>) -> (i32, i32) {
    %c0_i32 = arith.constant 0 : i32
    %c0_i32_0 = arith.constant 0 : i32
    return %arg0, %c0_i32 : i32, i32
  }
}

</mosaic_0001>

<sc_bundles>
// kernel: kernel.4.cloned.1.call-start
scs
__scs_entry_jumppad:
0x0: {  	(pc) =	sbr.rel $0x88, $3  }
0x1: {  	(tag) =	ssettag $0x0;
	lr =	simm.s32 $0x1  }
0x2: {  	[smem:$0x3F9E] =	sst lr;
	_ =	strace $0xD0000000  }
0x3: {  	_ = 	snop  }
0x4: {  	_ = 	snop  }
0x5: {  	_ = 	snop  }
0x6: {  	_ = 	snop  }
0x7: {  	_ = 	snop  }
__scs_overlays_trampoline_lowered:
0x8: {  	[smem:$0x3FAD] =	sst s0  }
0x9: {  	[smem:$0x3FAE] =	sst s1  }
0xa: {  	[smem:$0x3FAF] =	sst s2  }
0xb: {  	[smem:$0x3FB0] =	sst s3  }
0xc: {  	[smem:$0x3FB1] =	sst s4  }
0xd: {  	[smem:$0x3FB2] =	sst s5  }
0xe: {  	[smem:$0x3FB3] =	sst s6  }
0xf: {  	[smem:$0x3FB4] =	sst s7  }
0x10: {  	[smem:$0x3FB5] =	sst s8  }
0x11: {  	[smem:$0x3FB6] =	sst s9;
	s0 =	simm.s32 @!p0 $0x0  }
0x12: {  	s1 =	sld [smem:$0x3F9C];
	s0 =	simm.s32 @p0 $0x1  }
0x13: {  	[smem:$0x3FB7] =	sst s0;
	s0 =	simm.s32 @!p1 $0x0  }
0x14: {  	s2 =	sld [smem:$0x3F9B];
	s0 =	simm.s32 @p1 $0x1  }
0x15: {  	[smem:$0x3FB8] =	sst s0;
	s0 =	simm.s32 @!p2 $0x0  }
0x16: {  	s3 =	sld [smem:$0x3FDB];
	s0 =	simm.s32 @p2 $0x1  }
0x17: {  	s4 =	simm.s32 $0x1BF5;
	[smem:$0x3FBA] =	sst s0  }
0x18: {  	s0 =	sld [smem:$0x3F9D];
	_ =	swait.ge [sflag:s4], $0x0  }
0x19: {  	s7 =	sld [smem:$0x3F9E]  }
0x1a: {  	s8 =	sadd.s32 $0xFFFFE003, lr  }
0x1b: {  	s9 =	sadd.s32 $0xFFFFFEF7, lr;
	s5 =	simm.s32 $0xFFFFFFFF;
	p2 =	slt.u32 s8, $0xFFFFF086  }
0x1c: {  	p1 =	slt.u32 s9, $0xF7A;
	s5 =	simm.s32 @!p2 $0x0  }
0x1d: {  	s5 =	simm.s32 @p1 $0x1;
	p0 =	seq.s32 s7, s2  }
0x1e: {  	s7 =	smul.u32 @!p0 $0xF7A, s2;
	p2 =	seq.s32 @!p0 s5, $0x0  }
0x1f: {  	s9 =	smul.u32 $0xF7A, s1;
	s8 =	simm.s32 @!p0 $0x1BF5;
	p2 =	por !p2, p0  }
0x20: {  	[sflag:s8] =	ssyncset.s32 @!p0 $0xFFFFF086;
	s6 =	sadd.s32 @!p0 s3, s7;
	s7 =	simm.s32 @!p0 $0x108  }
0x21: {  	s3 =	sadd.s32 s3, s9;
	s6 =	sadd.s32 @!p0 $0x88, s6;
	s7 =	simm.s32 @p2 $0x1082  }
0x22: {  	[simem:s7], [sflag:s8] =	dma.local @!p0 [hbm:s6], $0xF7A  }
0x23: {  	s9 =	sor.u32 $0xD0000000, s2;
	s6 =	simm.s32 $0x108;
	_ =	swait.ge @!p0 [sflag:s8], $0x0  }
0x24: {  	s3 =	sadd.s32 $0x88, s3;
	s6 =	simm.s32 @!p1 $0x1082;
	[sflag:s4] =	ssyncset.s32 $0xFFFFF086  }
0x25: {  	[simem:s6], [sflag:s4] =	dma.local [hbm:s3], $0xF7A  }
0x26: {  	[smem:$0x3F9E] =	sst s1;
	(tag) =	ssettag s2;
	_ =	strace s9  }
0x27: {  	s1 =	sld [smem:$0x3FAE]  }
0x28: {  	s2 =	sld [smem:$0x3FAF]  }
0x29: {  	s4 =	sld [smem:$0x3FB1]  }
0x2a: {  	p0 =	seq.s32 s5, $0x0;
	s5 =	sld [smem:$0x3FB2]  }
0x2b: {  	s6 =	sld [smem:$0x3FB3]  }
0x2c: {  	s7 =	sld [smem:$0x3FB4]  }
0x2d: {  	s3 =	simm.s32 $0x108;
	s8 =	sld [smem:$0x3FB5]  }
0x2e: {  	s3 =	simm.s32 @!p0 $0x1082;
	s9 =	sld [smem:$0x3FB6]  }
0x2f: {  	lr =	sadd.s32 s0, s3;
	s0 =	sld [smem:$0x3FAD]  }
0x30: {  	s3 =	sld [smem:$0x3FB0]  }
0x31: {  	[smem:$0x3FB9] =	sst s10  }
0x32: {  	s10 =	sld [smem:$0x3FB7];
	_ =	sdelay $0x3  }
0x33: {  	p0 =	seq.s32 s10, $0x1;
	s10 =	sld [smem:$0x3FB9];
	_ =	sdelay $0x3  }
0x34: {  	[smem:$0x3FB9] =	sst s10  }
0x35: {  	s10 =	sld [smem:$0x3FB8];
	_ =	sdelay $0x3  }
0x36: {  	p1 =	seq.s32 s10, $0x1;
	s10 =	sld [smem:$0x3FB9];
	_ =	sdelay $0x3  }
0x37: {  	[smem:$0x3FB9] =	sst s10  }
0x38: {  	s10 =	sld [smem:$0x3FBA]  }
0x39: {  	_ = 	snop;
	(pc) =	sbr.ind lr, $3  }
0x3a: {  	_ = 	snop  }
0x3b: {  	_ = 	snop  }
0x3c: {  	p2 =	seq.s32 s10, $0x1;
	s10 =	sld [smem:$0x3FB9]  }
0x3d: {  	_ =	shalt  }
0x3e: {  	_ =	shalt  }
0x3f: {  	_ =	shalt  }
0x40: {  	_ =	shalt  }
0x41: {  	_ =	shalt  }
0x42: {  	_ =	shalt  }
0x43: {  	_ =	shalt  }
0x44: {  	_ =	shalt  }
0x45: {  	_ =	shalt  }
0x46: {  	_ =	shalt  }
0x47: {  	_ =	shalt  }
0x48: {  	_ =	shalt  }
0x49: {  	_ =	shalt  }
0x4a: {  	_ =	shalt  }
0x4b: {  	_ =	shalt  }
0x4c: {  	_ =	shalt  }
0x4d: {  	_ =	shalt  }
0x4e: {  	_ =	shalt  }
0x4f: {  	_ =	shalt  }
0x50: {  	_ =	shalt  }
0x51: {  	_ =	shalt  }
0x52: {  	_ =	shalt  }
0x53: {  	_ =	shalt  }
0x54: {  	_ =	shalt  }
0x55: {  	_ =	shalt  }
0x56: {  	_ =	shalt  }
0x57: {  	_ =	shalt  }
0x58: {  	_ =	shalt  }
0x59: {  	_ =	shalt  }
0x5a: {  	_ =	shalt  }
0x5b: {  	_ =	shalt  }
0x5c: {  	_ =	shalt  }
0x5d: {  	_ =	shalt  }
0x5e: {  	_ =	shalt  }
0x5f: {  	_ =	shalt  }
0x60: {  	_ =	shalt  }
0x61: {  	_ =	shalt  }
0x62: {  	_ =	shalt  }
0x63: {  	_ =	shalt  }
0x64: {  	_ =	shalt  }
0x65: {  	_ =	shalt  }
0x66: {  	_ =	shalt  }
0x67: {  	_ =	shalt  }
0x68: {  	_ =	shalt  }
0x69: {  	_ =	shalt  }
0x6a: {  	_ =	shalt  }
0x6b: {  	_ =	shalt  }
0x6c: {  	_ =	shalt  }
0x6d: {  	_ =	shalt  }
0x6e: {  	_ =	shalt  }
0x6f: {  	_ =	shalt  }
0x70: {  	_ =	shalt  }
0x71: {  	_ =	shalt  }
0x72: {  	_ =	shalt  }
0x73: {  	_ =	shalt  }
0x74: {  	_ =	shalt  }
0x75: {  	_ =	shalt  }
0x76: {  	_ =	shalt  }
0x77: {  	_ =	shalt  }
0x78: {  	_ =	shalt  }
0x79: {  	_ =	shalt  }
0x7a: {  	_ =	shalt  }
0x7b: {  	_ =	shalt  }
0x7c: {  	_ =	shalt  }
0x7d: {  	_ =	shalt  }
0x7e: {  	_ =	shalt  }
0x7f: {  	_ =	shalt  }
0x80: {  	_ =	shalt  }
0x81: {  	_ =	shalt  }
0x82: {  	_ =	shalt  }
0x83: {  	_ =	shalt  }
0x84: {  	_ =	shalt  }
0x85: {  	_ =	shalt  }
0x86: {  	_ =	shalt  }
0x87: {  	_ =	shalt  }
.Lfunc_end0:
.L_simem_size_0:
called_computation_lowered:
.L_overlay_start_0:
0x88: {  	s2 =	sld [smem:$0x3FD9]  }
0x89: {  	s3 =	sld [smem:$0x3FFE];
	_ =	sdelay $0x1  }
0x8a: {  	s1 =	srdreg.scid  }
0x8b: {  	s0 =	sand.u32 $0x1, s1  }
0x8c: {  	s17 =	sshll.u32 s0, $0xA;
	s2 =	sadd.s32 s3, s2  }
0x8d: {  	s2 =	sadd.s32 s2, s17  }
0x8e: {  	[smem:$0x3FC5] =	sst s2  }
0x8f: {  	_ = 	snop  }
0x90: {  	s2 =	sld [smem:$0x3FC8]  }
0x91: {  	s18 =	sld [smem:$0x3FC7];
	(tm) =	ssettm $0x1  }
0x92: {  	s4 =	sld [smem:$0x3FFB];
	_ =	sdelay $0x3  }
0x93: {  	_ =	strace s4  }
0x94: {  	s4 =	sld [smem:$0x3FFC];
	_ =	sdelay $0x3  }
0x95: {  	_ =	strace s4  }
0x96: {  	s4 =	sld [smem:$0x3FFD];
	_ =	sdelay $0x3  }
0x97: {  	_ =	strace s4  }
0x98: {  	_ =	strace $0x8FFFFFFF  }
0x99: {  	s19 =	sld [smem:$0x3FDB];
	_ =	sdelay $0x1  }
0x9a: {  	s5 =	simm.s32 $_scs_section_size  }
0x9b: {  	s6 =	simm.s32 $_size__tile_overlayer_lowered;
	s7 =	simm.s32 $_tile_overlayer_lowered  }
0x9c: {  	s22 =	simm.s32 $0x1BFF;
	s21 =	sshll.u32 s7, $0x1;
	s4 =	sadd.s32 s5, s19  }
0x9d: {  	s8 =	simm.s32 $0x0;
	s20 =	sshll.u32 s6, $0x1;
	s6 =	sadd.s32 s21, s4  }
0x9e: {  	[timem:s8], [sflag:s22] =	dma.local [hbm:s6], s20  }
0x9f: {  	_ =	swait.ge [sflag:s22], s20  }
0xa0: {  	s5 =	ssub.s32 $0x0, s20;
	[sflag:s22] =	ssyncset.done $0x0  }
0xa1: {  	[sflag:s22] =	ssyncadd.s32 s5;
	_ =	sdelay $0x1  }
0xa2: {  	s23 =	simm.s32 $0x1B8B  }
0xa3: {  	_ =	swait.ge [sflag:s23], $0x1  }
0xa4: {  	[sflag:s23] =	ssyncset.done $0x0  }
0xa5: {  	s25 =	simm.s32 $0x1B8E;
	s24 =	sld [smem:$0x3FFE];
	[sflag:s23] =	ssyncadd.s32 $0xFFFFFFFF  }
0xa6: {  	s26 =	simm.s32 $execute0_lowered;
	[smem:$0x3FD2] =	sst s25  }
0xa7: {  	s6 =	sshll.u32 s26, $0x1;
	_ =	strace $0x80000046;
	[dreg:$0x1] =	wrdreg $0xFFFFFFFF  }
0xa8: {  	s28 =	simm.s32 $_size_execute0_lowered;
	s4 =	sadd.s32 s4, s6;
	[dreg:$0x0] =	wrdreg $0x0  }
0xa9: {  	s6 =	sshll.u32 s28, $0x1;
	[dreg:$0x2] =	wrdreg s4  }
0xaa: {  	[dreg:$0x3] =	wrdreg s6  }
0xab: {  	[dreg:$0x4] =	wrdreg $0xC0  }
0xac: {  	_ =	task [dreg:s8], $0x5FFFF  }
0xad: {  	[dreg:$0x1] =	wrdreg $0xFFFFFFFF  }
0xae: {  	[dreg:$0x0] =	wrdreg $0x60  }
0xaf: {  	[dreg:$0x2] =	wrdreg s24  }
0xb0: {  	[dreg:$0x3] =	wrdreg s2  }
0xb1: {  	[dreg:$0x4] =	wrdreg s18  }
0xb2: {  	[dreg:$0x5] =	wrdreg $0x9  }
0xb3: {  	_ =	task.clear_ibuf [dreg:s8], $0x6FFFF;
	_ =	strace $0x90000046  }
0xb4: {  	s29 =	simm.s32 $0x9;
	_ =	strace $0x80000048  }
0xb5: {  	_ =	swait.ge [sflag:s29], $0x1  }
0xb6: {  	[sflag:s29] =	ssyncadd.s32 $0xFFFFFFFF  }
0xb7: {  	_ =	strace $0x90000048  }
0xb8: {  	_ =	sfence  }
0xb9: {  	s30 =	sld [smem:$0x0];
	_ =	sdelay $0x2  }
0xba: {  	s31 =	sshll.u32 s1, $0xD;
	s1 =	sshrl.u32 s1, $0x2  }
0xbb: {  	s3 =	sand.u32 $0x4000, s31;
	s1 =	sadd.s32 s1, s30  }
0xbc: {  	s0 =	sor.u32 s3, s0;
	s1 =	sshll.u32 s1, $0x11  }
0xbd: {  	s0 =	sor.u32 s1, s0  }
0xbe: {  	s0 =	sadd.s32 $0x8F2B, s0  }
0xbf: {  	[sflag:s0] =	ssyncadd.remote.s32 $0x1  }
0xc0: {  	_ =	sfence.sel $0xFFFF  }
0xc1: {  	[dreg:$0x0] =	wrdreg $0xFFFFFFFF;
	(pc) =	sbr.abs _section_cstart, $3  }
0xc2: {  	[dreg:$0x1] =	wrdreg $0xFFFFFFFF  }
0xc3: {  	_ =	task.clear_ibuf [dreg:s8], $0x2FFFF;
	_ =	strace $0x9FFFFFFF  }
0xc4: {  	(tm) =	ssettm $0x7FFFFFFF  }
0xc5: {  	_ =	shalt  }
tec
execute0_lowered:
.L_overlay_start_1:
0x0: {  	(tag) =	ssettag $0x1  }
0x1: {  	s3 =	rddreg [dreg:$0x0]  }
0x2: {  	s7 =	rddreg [dreg:$0x1]  }
0x3: {  	s1 =	rddreg [dreg:$0x2]  }
0x4: {  	s0 =	rddreg [dreg:$0x3]  }
0x5: {  	s2 =	simm.s32 $0x0;
	s5 =	srdreg.scid;
	s11 =	simm.s32 $0x1  }
0x6: {  	s12 =	simm.s32 $0x880;
	s13 =	simm.s32 $0x0;
	[smem:$0x7FF] =	sst s2  }
0x7: {  	s4 =	sadd.s32 $0x600, s3;
	s6 =	sand.u32 $0x1, s5;
	s5 =	sadd.s32 $0x800, s3  }
0x8: {  	s3 =	stileid.u32;
	s7 =	sadd.s32 $0x300000, s7;
	s8 =	ssub.s32 $0x2, s6  }
0x9: {  	s10 =	sshll.u32 s3, $0x10;
	s6 =	sshll.u32 s6, $0xF;
	s9 =	sshrl.u32 s8, $0x1  }
0xa: {  	v1 =	vlaneseq.u32;
	_ =	strace $0x80000047;
	s6 =	sor.u32 s6, s10;
	s8 =	ssub.s32 s8, s9  }
0xb: {  	v0 =	vimm.s32 $0x0;
	vm0 =	vmmov $0xffff;
	v1 =	vmul.u32 $0x8, v1;
	s10 =	simm.s32 $0x80;
	s9 =	simm.s32 $0x2;
	s8 =	smax.u32 s8, $0x1  }
.LBB2_1:
0xc: {  	[tilespmem:s2], [sflag:$0x2] =	stream.linear.gather [hbm4b:s4+s2], $0x80, $0x38;
	[tilespmem:$0x8880] =	vst v63  }
0xd: {  	_ =	swait.ge [sflag:s9], $0x80  }
0xe: {  	[sflag:s9] =	ssyncset.done $0x0  }
0xf: {  	[sflag:s9] =	ssyncadd.s32 $0xFFFFFF80  }
0x10: {  	v2 =	vld.msk [tilespmem:$0x0], $0x1;
	_ =	sdelay $0x4  }
0x11: {  	v3 =	vshll.u32 v2, $0x4  }
0x12: {  	v2 =	vand.u32 $0x7, v2;
	v3 =	vand.u32 $0xFFFFFF80, v3  }
0x13: {  	v2 =	vor.u32 v2, v3  }
0x14: {  	v2 =	vperm.xlane v2, v0;
	_ =	sdelay $0x1  }
0x15: {  	v2 =	vadd.s32 v1, v2;
	_ =	sdelay $0x4  }
0x16: {  	[tilespmem:s10], [sflag:$0x1] =	stream.indirect_vreg.gather [hbm4b:s1+s2], $0x80, v2, vm0, $0xb8;
	[tilespmem:$0x8880] =	vst v63  }
0x17: {  	_ =	swait.ge [sflag:s11], $0x800  }
0x18: {  	[sflag:s11] =	ssyncset.done $0x0  }
0x19: {  	s14 =	simm.s32 $0x0;
	[sflag:s11] =	ssyncadd.s32 $0xFFFFF800  }
.LBB2_2:
0x1a: {  	s15 =	sshll.u32 s14, $0xC  }
0x1b: {  	s15 =	sadd.s32 s6, s15  }
0x1c: {  	s17 =	simm.s32 $0x0;
	s16 =	sadd.s32 s15, s7  }
0x1d: {  	[tilespmem:s12], [sflag:$0x2] =	stream.linear.gather [hbm4b:s16+s17], $0x8000, $0x38;
	[tilespmem:$0x8880] =	vst v63  }
0x1e: {  	_ =	swait.ge [sflag:s9], $0x8000  }
0x1f: {  	s30 =	sand.u32 $0x70, s17;
	s18 =	sand.u32 $0x3C00, s17;
	[sflag:s9] =	ssyncset.done $0x0  }
0x20: {  	s16 =	sor.u32 s30, s18;
	[sflag:s9] =	ssyncadd.s32 $0xFFFF8000  }
0x21: {  	s31 =	simm.s32 $0x80;
	v3 =	vld [tilespmem:s16+$0x900]  }
0x22: {  	v2 =	vld [tilespmem:s31+$0x0]  }
0x23: {  	v4 =	vld [tilespmem:s16+$0xB00]  }
0x24: {  	v5 =	vld [tilespmem:s16+$0x980]  }
0x25: {  	v6 =	vld [tilespmem:s16+$0x880]  }
0x26: {  	v7 =	vld [tilespmem:s16+$0xA80]  }
0x27: {  	v8 =	vld [tilespmem:s16+$0xB80];
	v3 =	vadd.f32 v3, v2  }
0x28: {  	v9 =	vld [tilespmem:s16+$0xA00];
	v4 =	vadd.f32 v4, v2  }
0x29: {  	v5 =	vadd.f32 v5, v2;
	[tilespmem:s16+$0x900] =	vst v3  }
0x2a: {  	v3 =	vadd.f32 v6, v2;
	[tilespmem:s16+$0xB00] =	vst v4  }
0x2b: {  	v4 =	vadd.f32 v7, v2;
	[tilespmem:s16+$0x980] =	vst v5  }
0x2c: {  	s19 =	sand.u32 $0x7, s17;
	v5 =	vadd.f32 v8, v2;
	[tilespmem:s16+$0x880] =	vst v3  }
0x2d: {  	s20 =	simm.s32 $0x0;
	s19 =	sshll.u32 s19, $0x4;
	[tilespmem:s16+$0xA80] =	vst v4;
	v3 =	vadd.f32 v9, v2  }
0x2e: {  	s18 =	simm.s32 $0x10;
	s21 =	sadd.s32 $0x0, s19;
	s19 =	simm.s32 $0x90;
	[tilespmem:s16+$0xB80] =	vst v5  }
.LBB2_3:
0x2f: {  	[tilespmem:s16+$0xA00] =	vst v3;
	s21 =	sor.u32 $0x380, s21;
	s17 =	sadd.s32 $0x80, s17;
	s20 =	sadd.s32 $0x1, s20  }
0x30: {  	p0 =	sne.s32 s18, $0x7F0;
	s22 =	smov.u32 s18;
	s18 =	sadd.s32 $0x10, s18;
	v3 =	vld [tilespmem:s21+$0x880]  }
0x31: {  	_ =	sdelay $0x3  }
0x32: {  	v3 =	vadd.f32 v3, v2;
	_ =	sdelay $0x1  }
0x33: {  	[tilespmem:s21+$0x880] =	vst v3  }
0x34: {  	v3 =	vld [tilespmem:s16+$0x4A00]  }
0x35: {  	v4 =	vld [tilespmem:s16+$0x4880]  }
0x36: {  	v5 =	vld [tilespmem:s16+$0x4900]  }
0x37: {  	s21 =	sand.u32 $0x70, s22;
	s22 =	sand.u32 $0x3C00, s17;
	v6 =	vld [tilespmem:s16+$0x4C00]  }
0x38: {  	s21 =	sor.u32 s21, s22;
	v7 =	vld [tilespmem:s16+$0x4A80]  }
0x39: {  	v3 =	vadd.f32 v3, v2;
	v8 =	vld [tilespmem:s16+$0x4B00]  }
0x3a: {  	v4 =	vadd.f32 v4, v2;
	v9 =	vld [tilespmem:s16+$0x4B80]  }
0x3b: {  	v5 =	vadd.f32 v5, v2;
	v10 =	vld [tilespmem:s16+$0x4980];
	[tilespmem:s16+$0x4A00] =	vst v3  }
0x3c: {  	v11 =	vld [tilespmem:s21+$0xB00];
	[tilespmem:s16+$0x4880] =	vst v4;
	v3 =	vadd.f32 v6, v2  }
0x3d: {  	v4 =	vld [tilespmem:s21+$0x900];
	[tilespmem:s16+$0x4900] =	vst v5;
	v5 =	vadd.f32 v7, v2  }
0x3e: {  	v6 =	vadd.f32 v8, v2;
	[tilespmem:s16+$0x4C00] =	vst v3  }
0x3f: {  	[tilespmem:s16+$0x4A80] =	vst v5;
	v3 =	vadd.f32 v9, v2  }
0x40: {  	v5 =	vld [tilespmem:s21+$0xA80];
	v2 =	vadd.f32 v10, v2;
	[tilespmem:s16+$0x4B00] =	vst v6  }
0x41: {  	v6 =	vld [tilespmem:s21+$0x880];
	[tilespmem:s16+$0x4B80] =	vst v3  }
0x42: {  	v3 =	vld [tilespmem:s21+$0x980];
	[tilespmem:s16+$0x4980] =	vst v2;
	s16 =	smov.u32 s21  }
0x43: {  	v2 =	vld [tilespmem:s19+$0x0]  }
0x44: {  	v7 =	vld [tilespmem:s16+$0xA00]  }
0x45: {  	v8 =	vld [tilespmem:s16+$0xB80];
	_ =	sdelay $0x2  }
0x46: {  	v4 =	vadd.f32 v4, v2;
	v9 =	vadd.f32 v3, v2  }
0x47: {  	v3 =	vadd.f32 v7, v2;
	v7 =	vadd.f32 v11, v2  }
0x48: {  	v6 =	vadd.f32 v6, v2;
	[tilespmem:s16+$0x900] =	vst v4;
	v4 =	vadd.f32 v8, v2  }
.Ltmp0:
0x49: {  	v5 =	vadd.f32 v5, v2;
	[tilespmem:s16+$0xB00] =	vst v7;
	(pc) =	sbr.rel @p0 .LBB2_3-.Ltmp0, $4  }
0x4a: {  	[tilespmem:s16+$0x980] =	vst v9  }
0x4b: {  	s21 =	sand.u32 $0x7, s20;
	[tilespmem:s16+$0x880] =	vst v6  }
0x4c: {  	s21 =	sshll.u32 s21, $0x4;
	[tilespmem:s16+$0xA80] =	vst v5  }
0x4d: {  	s19 =	sadd.s32 $0x10, s19;
	s21 =	sadd.s32 s21, s17;
	[tilespmem:s16+$0xB80] =	vst v4  }
0x4e: {  	[tilespmem:s16+$0xA00] =	vst v3;
	s17 =	sor.u32 $0x380, s21  }
0x4f: {  	v3 =	vld [tilespmem:s17+$0x880];
	_ =	sdelay $0x4  }
0x50: {  	v3 =	vadd.f32 v3, v2;
	_ =	sdelay $0x1  }
0x51: {  	[tilespmem:s17+$0x880] =	vst v3  }
0x52: {  	v3 =	vld [tilespmem:s16+$0x4A00]  }
0x53: {  	v4 =	vld [tilespmem:s16+$0x4880]  }
0x54: {  	v5 =	vld [tilespmem:s16+$0x4900]  }
0x55: {  	v7 =	vld [tilespmem:s16+$0x4A80]  }
0x56: {  	v6 =	vld [tilespmem:s16+$0x4C00]  }
0x57: {  	v8 =	vld [tilespmem:s16+$0x4B00];
	v3 =	vadd.f32 v3, v2  }
0x58: {  	v9 =	vld [tilespmem:s16+$0x4B80];
	v4 =	vadd.f32 v4, v2  }
0x59: {  	v10 =	vld [tilespmem:s16+$0x4980];
	v5 =	vadd.f32 v5, v2;
	[tilespmem:s16+$0x4A00] =	vst v3  }
0x5a: {  	v62 =	vadd.f32 v7, v2;
	[tilespmem:s16+$0x4880] =	vst v4  }
0x5b: {  	v3 =	vadd.f32 v6, v2;
	[tilespmem:s16+$0x4900] =	vst v5  }
0x5c: {  	v63 =	vadd.f32 v8, v2;
	[tilespmem:s16+$0x4A80] =	vst v62  }
0x5d: {  	[tilespmem:s16+$0x4C00] =	vst v3;
	v3 =	vadd.f32 v9, v2  }
0x5e: {  	s14 =	sadd.s32 $0x1, s14;
	[tilespmem:s16+$0x4B00] =	vst v63;
	v2 =	vadd.f32 v10, v2  }
0x5f: {  	p0 =	sne.s32 s14, $0x8;
	[tilespmem:s16+$0x4B80] =	vst v3  }
.Ltmp1:
0x60: {  	s15 =	sadd.s32 s5, s15;
	[tilespmem:s16+$0x4980] =	vst v2;
	(pc) =	sbr.rel @p0 .LBB2_2-.Ltmp1, $4  }
0x61: {  	[hbm4b:s15+s2] =	stream.linear.scatter [tilespmem:s12], [sflag:$0x2], $0x8000, $0x38;
	[tilespmem:$0x8880] =	vst v63  }
0x62: {  	_ =	swait.ge [sflag:s9], $0x8000  }
0x63: {  	[sflag:s9] =	ssyncset.done $0x0  }
0x64: {  	[sflag:s9] =	ssyncadd.s32 $0xFFFF8000  }
0x65: {  	s13 =	sadd.s32 $0x1, s13  }
0x66: {  	p0 =	sne.s32 s13, s8  }
.Ltmp2:
0x67: {  	_ = 	snop;
	(pc) =	sbr.rel @p0 .LBB2_1-.Ltmp2, $1  }
0x68: {  	_ =	sdelay $0x3  }
0x69: {  	_ =	sfence.sel $0x180000  }
0x6a: {  	[bflag:$0x0] =	sbarrier.arrive $0xFFFF  }
0x6b: {  	p0 =	sne.s32 s3, $0x0;
	_ =	strace $0x90000047  }
0x6c: {  	s0 =	sadd.s32 @!p0 $0x100000, s0;
	[bflag:$0x2] =	sbarrier.arrive $0xFFFF  }
0x6d: {  	[sflag:s0] =	ssyncadd.tile.s32 @!p0 $0x1;
	_ =	shalt  }
.Lfunc_end2:
_tile_overlayer_lowered:
.L_overlay_start_2:
0x6e: {  	(tag) =	ssettag $0x2  }
0x6f: {  	s0 =	rddreg [dreg:$0x0];
	s2 =	stileid.u32  }
0x70: {  	s1 =	rddreg [dreg:$0x1];
	p0 =	sne.s32 s2, $0x0  }
0x71: {  	s3 =	rddreg [dreg:$0x2];
	[bflag:$0x3] =	sbarrier.arrive $0xFFFF;
	s2 =	simm.s32 @!p0 $0x1C02  }
0x72: {  	[timem:s3], [sflag:s2] =	dma.local @!p0 [hbm:s0], s1  }
0x73: {  	s0 =	simm.s32 @!p0 $0x2  }
0x74: {  	_ =	swait.ge @!p0 [sflag:s0], s1  }
0x75: {  	s1 =	ssub.s32 @!p0 $0x0, s1;
	[sflag:s0] =	ssyncset.done @!p0 $0x0  }
0x76: {  	[sflag:s0] =	ssyncadd.s32 @!p0 s1  }
0x77: {  	[bflag:$0x3] =	sbarrier.arrive $0xFFFF  }
0x78: {  	_ =	shalt  }

</sc_bundles>
